<compile_context>
chip_gen: v7x
topology: tpu7x:2x2x1
jax: 0.10.2.dev20260603
libtpu: 0.0.44.dev20260713+nightly
codegen_flags: <defaults>
</compile_context>

<pallas_src>
import functools

import jax
import jax.numpy as jnp
from jax import lax
from jax.experimental import pallas as pl
from jax.experimental.pallas import tpu as pltpu
from jax.experimental.pallas import tpu_sc as plsc

N_NODES = 10000
N_EDGES = 160000
N_ITERS = 7
DH = 10
DE = 11
DIN = 9
MLP_H = 96

NP = 10240
NP8 = NP // 8
SINK = N_NODES
NW = 32
EPW = 5120
SPW = EPW // 8
E_PAD = NW * EPW
E8 = E_PAD // 8
RPT = NP // 16
RPT8 = NP8 // 16


@functools.cache
def _mesh():
    return plsc.VectorSubcoreMesh(core_axis_name="c", subcore_axis_name="s")



_NB = 4
_JR = 1280


def _gather_body(state_hbm, src_hbm, dst_hbm, xs_hbm, xd_hbm, idx_v,
                 b0, b1, b2, b3, gs0, gs1, gs2, gs3, cs0, cs1, cs2, cs3,
                 state_sh):
    c = lax.axis_index("c")
    s = lax.axis_index("s")
    wid = s * 2 + c
    bufs = (b0, b1, b2, b3)
    gsems = (gs0, gs1, gs2, gs3)
    csems = (cs0, cs1, cs2, cs3)
    pltpu.sync_copy(state_hbm.at[pl.ds(s * RPT, RPT)],
                    state_sh.at[pl.ds(s * RPT, RPT)])
    pltpu.sync_copy(src_hbm.at[wid], idx_v.at[pl.ds(0, EPW)])
    pltpu.sync_copy(dst_hbm.at[wid], idx_v.at[pl.ds(EPW, EPW)])
    plsc.subcore_barrier()

    def _out_slab(j):
        tgt = xs_hbm if j < 4 else xd_hbm
        return tgt.at[wid, pl.ds((j % 4) * _JR, _JR)]

    gathers = [None] * 8
    copies = [None] * 8
    for j in range(8):
        if j >= _NB:
            copies[j - _NB].wait()
        gathers[j] = pltpu.async_copy(
            state_sh.at[idx_v.at[pl.ds(j * _JR, _JR)]], bufs[j % _NB],
            gsems[j % _NB])
        if j >= 1:
            k = j - 1
            gathers[k].wait()
            copies[k] = pltpu.async_copy(bufs[k % _NB], _out_slab(k),
                                         csems[k % _NB])
    gathers[7].wait()
    copies[7] = pltpu.async_copy(bufs[3], _out_slab(7), csems[3])
    for k in range(4, 8):
        copies[k].wait()


@jax.jit
def _sc_gather(state, src3, dst3):
    return pl.kernel(
        _gather_body,
        out_type=[
            jax.ShapeDtypeStruct((NW, EPW, 16), jnp.float32),
            jax.ShapeDtypeStruct((NW, EPW, 16), jnp.float32),
        ],
        mesh=_mesh(),
        compiler_params=pltpu.CompilerParams(use_tc_tiling_on_sc=False),
        scratch_types=[
            pltpu.VMEM((2 * EPW,), jnp.int32),
        ] + [pltpu.VMEM((_JR, 16), jnp.float32)] * 4
          + [pltpu.SemaphoreType.DMA] * 8
          + [pltpu.VMEM_SHARED((NP, 16), jnp.float32)],
    )(state, src3, dst3)


def _scatter_body(msgs_hbm, dst_hbm, out_hbm, idx_v, rows_v, zb_v, sem, agg_sh):
    c = lax.axis_index("c")
    s = lax.axis_index("s")
    wid = s * 2 + c

    def _zero(i, carry):
        zb_v[i] = jnp.zeros((16,), jnp.float32)
        return carry

    lax.fori_loop(0, RPT, _zero, 0)
    pltpu.sync_copy(zb_v, agg_sh.at[pl.ds(s * RPT, RPT)])
    plsc.subcore_barrier()
    pltpu.sync_copy(msgs_hbm.at[wid], rows_v)
    pltpu.sync_copy(dst_hbm.at[wid], idx_v)
    pltpu.sync_copy(rows_v, agg_sh.at[idx_v], add=True)
    plsc.subcore_barrier()
    pltpu.sync_copy(agg_sh.at[pl.ds(s * RPT, RPT)],
                    out_hbm.at[c, pl.ds(s * RPT, RPT)])


def _indeg_body(dst_hbm, out_hbm, idx_v, ones_v, zb_v, agg_sh):
    c = lax.axis_index("c")
    s = lax.axis_index("s")
    wid = s * 2 + c

    def _zero(i, carry):
        zb_v[i] = jnp.zeros((16,), jnp.float32)
        return carry

    def _one(i, carry):
        ones_v[i] = jnp.ones((16,), jnp.float32)
        return carry

    lax.fori_loop(0, RPT, _zero, 0)
    lax.fori_loop(0, EPW // 8, _one, 0)
    pltpu.sync_copy(zb_v, agg_sh.at[pl.ds(s * RPT, RPT)])
    pltpu.sync_copy(dst_hbm.at[wid], idx_v)
    plsc.subcore_barrier()
    for k in range(8):
        pltpu.sync_copy(ones_v, agg_sh.at[idx_v.at[k]], add=True)
    plsc.subcore_barrier()
    pltpu.sync_copy(agg_sh.at[pl.ds(s * RPT, RPT)],
                    out_hbm.at[c, pl.ds(s * RPT, RPT)])


@jax.jit
def _sc_indeg(dst38):
    return pl.kernel(
        _indeg_body,
        out_type=jax.ShapeDtypeStruct((2, NP, 16), jnp.float32),
        mesh=_mesh(),
        compiler_params=pltpu.CompilerParams(use_tc_tiling_on_sc=False),
        scratch_types=[
            pltpu.VMEM((8, EPW // 8), jnp.int32),
            pltpu.VMEM((EPW // 8, 16), jnp.float32),
            pltpu.VMEM((RPT, 16), jnp.float32),
            pltpu.VMEM_SHARED((NP, 16), jnp.float32),
        ],
    )(dst38)


@jax.jit
def _sc_scatter(msgs3, dst3):
    return pl.kernel(
        _scatter_body,
        out_type=jax.ShapeDtypeStruct((2, NP, 16), jnp.float32),
        mesh=_mesh(),
        compiler_params=pltpu.CompilerParams(use_tc_tiling_on_sc=False),
        scratch_types=[
            pltpu.VMEM((EPW,), jnp.int32),
            pltpu.VMEM((EPW, 16), jnp.float32),
            pltpu.VMEM((RPT, 16), jnp.float32),
            pltpu.SemaphoreType.DMA,
            pltpu.VMEM_SHARED((NP, 16), jnp.float32),
        ],
    )(msgs3, dst3)



_BR = 1024


def _unpack8(x8):
    t = x8.T
    return jnp.concatenate([t[16 * j:16 * j + 16, :] for j in range(8)], axis=1)


def _pack8(m, rows):
    t = jnp.concatenate([m[:, rows * j:rows * (j + 1)] for j in range(8)], axis=0)
    return t.T


def _mlp_body(xs_ref, xd_ref, w1a, w1b, b1, w2, b2, w3, b3, out_ref):
    bf = jnp.bfloat16
    f32 = jnp.float32
    xs = _unpack8(xs_ref[...]).astype(bf)
    xd = _unpack8(xd_ref[...]).astype(bf)
    h = (jnp.dot(w1a[...], xs, preferred_element_type=f32)
         + jnp.dot(w1b[...], xd, preferred_element_type=f32)).astype(bf)
    h = jax.nn.relu(h + b1[...])
    h = jax.nn.relu(jnp.dot(w2[...], h, preferred_element_type=f32).astype(bf)
                    + b2[...])
    m = jnp.dot(w3[...], h, preferred_element_type=f32) + b3[...]
    out_ref[...] = _pack8(m, _BR)


@jax.jit
def _tc_mlp(xs, xd, w1a, w1b, b1, w2, b2, w3, b3):
    n_blk = E8 // _BR
    full = lambda i: (0, 0)
    return pl.pallas_call(
        _mlp_body,
        grid=(n_blk,),
        in_specs=[
            pl.BlockSpec((_BR, 128), lambda i: (i, 0)),
            pl.BlockSpec((_BR, 128), lambda i: (i, 0)),
            pl.BlockSpec((MLP_H, 16), full),
            pl.BlockSpec((MLP_H, 16), full),
            pl.BlockSpec((MLP_H, 1), full),
            pl.BlockSpec((MLP_H, MLP_H), full),
            pl.BlockSpec((MLP_H, 1), full),
            pl.BlockSpec((16, MLP_H), full),
            pl.BlockSpec((16, 1), full),
        ],
        out_specs=pl.BlockSpec((_BR, 128), lambda i: (i, 0)),
        out_shape=jax.ShapeDtypeStruct((E8, 128), jnp.float32),
    )(xs, xd, w1a, w1b, b1, w2, b2, w3, b3)


def _update_body(agg2_ref, st_ref, ni_ref, wia, wib, whh, bih, bhh, wout, bout,
                 ns_ref, out_ref):
    f32 = jnp.float32
    agg = _unpack8(agg2_ref[0] + agg2_ref[1])
    st = _unpack8(st_ref[...])
    gx = (jnp.dot(wia[...], agg, preferred_element_type=f32)
          + jnp.dot(wib[...], ni_ref[...], preferred_element_type=f32)
          + bih[...])
    gh = jnp.dot(whh[...], st, preferred_element_type=f32) + bhh[...]
    r = jax.nn.sigmoid(gx[0:16] + gh[0:16])
    z = jax.nn.sigmoid(gx[16:32] + gh[16:32])
    n = jnp.tanh(gx[32:48] + r * gh[32:48])
    ns = (1.0 - z) * n + z * st
    ns_ref[...] = _pack8(ns, NP8)
    logits = jnp.dot(wout[...], ns, preferred_element_type=f32) + bout[...]
    row = lax.broadcasted_iota(jnp.int32, logits.shape, 0)
    logits = jnp.where(row < 9, logits, -1e30)
    m = jnp.max(logits, axis=0, keepdims=True)
    e = jnp.exp(logits - m)
    out_ref[...] = e / jnp.sum(e, axis=0, keepdims=True)


def _update1_body(ind2_ref, ni_ref, b1, w2, b2, w3, b3, wia, wib, bih, bhh,
                  wout, bout, ns_ref, out_ref):
    f32 = jnp.float32
    bf = jnp.bfloat16
    deg = _unpack8(ind2_ref[0] + ind2_ref[1])[0:1]
    h1 = jax.nn.relu(b1[...])
    h2 = jax.nn.relu(jnp.dot(w2[...], h1, preferred_element_type=f32).astype(bf)
                     + b2[...])
    m0 = jnp.dot(w3[...], h2, preferred_element_type=f32) + b3[...]
    agg = m0 * deg
    gx = (jnp.dot(wia[...], agg, preferred_element_type=f32)
          + jnp.dot(wib[...], ni_ref[...], preferred_element_type=f32)
          + bih[...])
    gh = jnp.broadcast_to(bhh[...], gx.shape)
    z = jax.nn.sigmoid(gx[16:32] + gh[16:32])
    r = jax.nn.sigmoid(gx[0:16] + gh[0:16])
    n = jnp.tanh(gx[32:48] + r * gh[32:48])
    ns = (1.0 - z) * n
    ns_ref[...] = _pack8(ns, NP8)
    logits = jnp.dot(wout[...], ns, preferred_element_type=f32) + bout[...]
    row = lax.broadcasted_iota(jnp.int32, logits.shape, 0)
    logits = jnp.where(row < 9, logits, -1e30)
    m = jnp.max(logits, axis=0, keepdims=True)
    e = jnp.exp(logits - m)
    out_ref[...] = e / jnp.sum(e, axis=0, keepdims=True)


@jax.jit
def _tc_update1(ind2, niT, b1c, w2m, b2c, w3m, b3c, wia, wib, bih, bhh,
                wout, bout):
    return pl.pallas_call(
        _update1_body,
        out_shape=[
            jax.ShapeDtypeStruct((NP8, 128), jnp.float32),
            jax.ShapeDtypeStruct((16, NP), jnp.float32),
        ],
    )(ind2, niT, b1c, w2m, b2c, w3m, b3c, wia, wib, bih, bhh, wout, bout)


@jax.jit
def _tc_update(agg2, state8, niT, wia, wib, whh, bih, bhh, wout, bout):
    return pl.pallas_call(
        _update_body,
        out_shape=[
            jax.ShapeDtypeStruct((NP8, 128), jnp.float32),
            jax.ShapeDtypeStruct((16, NP), jnp.float32),
        ],
    )(agg2, state8, niT, wia, wib, whh, bih, bhh, wout, bout)



def _prep_idx(ids):
    ids = ids.reshape(NW, N_EDGES // NW)
    pad = jnp.full((NW, EPW - N_EDGES // NW), SINK, dtype=jnp.int32)
    return jnp.concatenate([ids, pad], axis=1)


def _pad2(a, rows, cols):
    return jnp.zeros((rows, cols), a.dtype).at[: a.shape[0], : a.shape[1]].set(a)


def _gate_pad_rows(w, in_real):
    out = jnp.zeros((48, 16), w.dtype)
    for g in range(3):
        out = out.at[g * 16:g * 16 + DH, :in_real].set(w[g * DH:(g + 1) * DH])
    return out


def kernel(node_inputs, src_ids, dst_ids, W1, b1, W2, b2, W3, b3, Wout, bout,
           W_ih, W_hh, b_ih, b_hh):
    f32 = jnp.float32
    bf = jnp.bfloat16
    src3 = _prep_idx(src_ids)
    dst3 = _prep_idx(dst_ids)

    ni = _pad2(node_inputs.astype(f32), NP, 16)
    niT = ni.reshape(NP8, 8, 16).transpose(2, 1, 0).reshape(16, NP)

    w1a = _pad2(W1[:, :DH], MLP_H, 16).astype(bf)
    w1b = _pad2(W1[:, DH:], MLP_H, 16).astype(bf)
    b1c = b1.reshape(MLP_H, 1).astype(bf)
    w2m = W2.astype(bf)
    b2c = b2.reshape(MLP_H, 1).astype(bf)
    w3m = _pad2(W3, 16, MLP_H).astype(bf)
    b3c = _pad2(b3.reshape(DE, 1), 16, 1)

    wia = _gate_pad_rows(W_ih[:, :DE], DE)
    wib = _gate_pad_rows(W_ih[:, DE:], DIN)
    whh = _gate_pad_rows(W_hh, DH)
    bih = jnp.zeros((48, 1), f32)
    bhh = jnp.zeros((48, 1), f32)
    for g in range(3):
        bih = bih.at[g * 16:g * 16 + DH, 0].set(b_ih[g * DH:(g + 1) * DH])
        bhh = bhh.at[g * 16:g * 16 + DH, 0].set(b_hh[g * DH:(g + 1) * DH])
    woutp = _pad2(Wout, 16, 16)
    boutc = _pad2(bout.reshape(9, 1), 16, 1)

    ind2 = _sc_indeg(dst3.reshape(NW, 8, EPW // 8))
    state8, out_0 = _tc_update1(ind2.reshape(2, NP8, 128), niT, b1c, w2m, b2c,
                                w3m, b3c, wia, wib, bih, bhh, woutp, boutc)
    outs = [out_0]
    for _ in range(N_ITERS - 1):
        xs, xd = _sc_gather(state8.reshape(NP, 16), src3, dst3)
        msgs = _tc_mlp(xs.reshape(E8, 128), xd.reshape(E8, 128),
                       w1a, w1b, b1c, w2m, b2c, w3m, b3c)
        agg2 = _sc_scatter(msgs.reshape(NW, EPW, 16), dst3)
        state8, out_i = _tc_update(agg2.reshape(2, NP8, 128), state8, niT,
                                   wia, wib, whh, bih, bhh, woutp, boutc)
        outs.append(out_i)
    total = jnp.stack(outs, axis=0)
    total = total.reshape(N_ITERS, 16, 8, NP8).transpose(0, 3, 2, 1)
    return total.reshape(N_ITERS, NP, 16)[:, :N_NODES, :9]

# --- scband reference (transcript-rebuilt; emitter-appended) ---
"""Pipeline reference for scband-gnn-5540507812348 (READ-ONLY COPY).

The authoritative reference and input builder live on the scoring server;
editing this copy changes nothing except your own understanding.
"""

import jax, jax.numpy as jnp
import numpy as np

N_NODES = 10000
N_EDGES = 160000
N_ITERS = 7
D_IN = 9
D_H = 10
D_EDGE = 11
D_OUT = 9
MLP_H = 96


def setup_inputs(seed: int = 0) -> dict:
    key = jax.random.key(seed)
    ks = jax.random.split(key, 16)
    node_inputs = jax.random.normal(ks[0], (N_NODES, D_IN), dtype=jnp.float32)
    src_ids = jax.random.randint(ks[1], (N_EDGES,), 0, N_NODES, dtype=jnp.int32)
    dst_ids = jax.random.randint(ks[2], (N_EDGES,), 0, N_NODES, dtype=jnp.int32)
    W1 = jax.random.normal(ks[3], (MLP_H, 2 * D_H), dtype=jnp.float32) * 0.1
    b1 = jnp.zeros((MLP_H,), dtype=jnp.float32)
    W2 = jax.random.normal(ks[4], (MLP_H, MLP_H), dtype=jnp.float32) * 0.1
    b2 = jnp.zeros((MLP_H,), dtype=jnp.float32)
    W3 = jax.random.normal(ks[5], (D_EDGE, MLP_H), dtype=jnp.float32) * 0.1
    b3 = jnp.zeros((D_EDGE,), dtype=jnp.float32)
    Wout = jax.random.normal(ks[6], (D_OUT, D_H), dtype=jnp.float32) * 0.1
    bout = jnp.zeros((D_OUT,), dtype=jnp.float32)
    W_ih = jax.random.normal(ks[7], (3 * D_H, D_EDGE + D_OUT), dtype=jnp.float32) * 0.1
    W_hh = jax.random.normal(ks[8], (3 * D_H, D_H), dtype=jnp.float32) * 0.1
    b_ih = jnp.zeros((3 * D_H,), dtype=jnp.float32)
    b_hh = jnp.zeros((3 * D_H,), dtype=jnp.float32)
    return {
        'node_inputs': node_inputs,
        'src_ids': src_ids,
        'dst_ids': dst_ids,
        'W1': W1, 'b1': b1, 'W2': W2, 'b2': b2, 'W3': W3, 'b3': b3,
        'Wout': Wout, 'bout': bout,
        'W_ih': W_ih, 'W_hh': W_hh, 'b_ih': b_ih, 'b_hh': b_hh,
    }


def reference(node_inputs, src_ids, dst_ids, W1, b1, W2, b2, W3, b3, Wout, bout, W_ih, W_hh, b_ih, b_hh):
    n_nodes = node_inputs.shape[0]
    H = W_hh.shape[1]
    state = jnp.zeros((n_nodes, H), dtype=node_inputs.dtype)
    outs = []
    for _ in range(N_ITERS):
        # gather source / destination node states per edge
        msg_state_src = jnp.take(state, src_ids, axis=0)
        msg_state_tar = jnp.take(state, dst_ids, axis=0)
        msg_state = jnp.concatenate([msg_state_src, msg_state_tar], axis=1)
        # msg_net MLP
        h = jax.nn.relu(msg_state @ W1.T + b1)
        h = jax.nn.relu(h @ W2.T + b2)
        msgs = h @ W3.T + b3
        # scatter-add aggregation by destination node
        agg_msgs = jnp.zeros((n_nodes, msgs.shape[1]), dtype=msgs.dtype).at[dst_ids].add(msgs)
        # GRU cell (single step, matches torch.nn.GRU semantics)
        gru_in = jnp.concatenate([agg_msgs, node_inputs], axis=1)
        gx = gru_in @ W_ih.T + b_ih
        gh = state @ W_hh.T + b_hh
        xr, xz, xn = jnp.split(gx, 3, axis=1)
        hr, hz, hn = jnp.split(gh, 3, axis=1)
        r = jax.nn.sigmoid(xr + hr)
        z = jax.nn.sigmoid(xz + hz)
        n = jnp.tanh(xn + r * hn)
        state = (1.0 - z) * n + z * state
        # per-iteration output head
        logits = state @ Wout.T + bout
        outs.append(jax.nn.log_softmax(logits, axis=1))
    total = jnp.stack(outs, axis=0)
    return jax.nn.softmax(total, axis=2)

if __name__ == "__main__":
    import jax
    _d = setup_inputs()
    print(jax.jit(kernel)(*tuple(_d.values())))

</pallas_src>

<mosaic_0001>
#map = affine_map<(d0, d1) -> (0, 0, 0)>
module attributes {stable_mosaic.version = 14 : i64} {
  func.func @_indeg_body(%arg0: i32, %arg1: i32, %arg2: memref<32x8x640xi32, #tpu.memory_space<hbm>>, %arg3: memref<2x10240x16xf32, #tpu.memory_space<hbm>>, %arg4: memref<8x640xi32, #tpu.memory_space<vmem>>, %arg5: memref<640x16xf32, #tpu.memory_space<vmem>>, %arg6: memref<640x16xf32, #tpu.memory_space<vmem>>, %arg7: memref<10240x16xf32, #tpu.memory_space<vmem_shared>>) attributes {dimension_semantics = [#tpu.dimension_semantics<core_parallel>, #tpu.dimension_semantics<subcore_parallel>], iteration_bounds = array<i64: 2, 16>, scalar_prefetch = 0 : i64, scratch_operands = 4 : i64, tpu.core_type = #tpu.core_type<sc_vector_subcore>, window_params = [{transform_indices = #map}, {transform_indices = #map}]} {
    %mul3A = arith.constant 2 : i32
    %mul3A_0 = arith.muli %arg1, %mul3A : i32
    %add3A = arith.addi %mul3A_0, %arg0 : i32
    %scan3A = arith.constant 0 : i32
    %scan3A_1 = arith.constant 0 : i32
    %scan3A_2 = arith.constant 640 : i32
    %scan3A_3 = arith.addi %scan3A_1, %scan3A_2 : i32
    %scan3A_4 = arith.constant 1 : i32
    scf.for %scan3A_26 = %scan3A_1 to %scan3A_3 step %scan3A_4  : i32 {
      %broadcast_in_dim3A = arith.constant 0.000000e+00 : f32
      %broadcast_in_dim3A_27 = vector.broadcast %broadcast_in_dim3A : f32 to vector<16xf32>
      %swap3A = arith.index_cast %scan3A_26 : i32 to index
      %swap3A_28 = arith.constant 0 : index
      %swap3A_29 = tpu.vector_load %arg6[%swap3A, %swap3A_28] {strides = array<i32>} : memref<640x16xf32, #tpu.memory_space<vmem>>, vector<1x16xf32>,
      %swap3A_30 = vector.shape_cast %swap3A_29 : vector<1x16xf32> to vector<16xf32>
      %swap3A_31 = vector.shape_cast %broadcast_in_dim3A_27 : vector<16xf32> to vector<1x16xf32>
      tpu.vector_store %arg6[%swap3A, %swap3A_28], %swap3A_31 {strides = array<i32>} : memref<640x16xf32, #tpu.memory_space<vmem>>, vector<1x16xf32>,
    }
    %scan3A_5 = arith.constant 640 : i32
    %scan3A_6 = arith.constant 0 : i32
    %scan3A_7 = arith.constant 0 : i32
    %scan3A_8 = arith.constant 640 : i32
    %scan3A_9 = arith.addi %scan3A_7, %scan3A_8 : i32
    %scan3A_10 = arith.constant 1 : i32
    scf.for %scan3A_26 = %scan3A_7 to %scan3A_9 step %scan3A_10  : i32 {
      %broadcast_in_dim3A = arith.constant 1.000000e+00 : f32
      %broadcast_in_dim3A_27 = vector.broadcast %broadcast_in_dim3A : f32 to vector<16xf32>
      %swap3A = arith.index_cast %scan3A_26 : i32 to index
      %swap3A_28 = arith.constant 0 : index
      %swap3A_29 = tpu.vector_load %arg5[%swap3A, %swap3A_28] {strides = array<i32>} : memref<640x16xf32, #tpu.memory_space<vmem>>, vector<1x16xf32>,
      %swap3A_30 = vector.shape_cast %swap3A_29 : vector<1x16xf32> to vector<16xf32>
      %swap3A_31 = vector.shape_cast %broadcast_in_dim3A_27 : vector<16xf32> to vector<1x16xf32>
      tpu.vector_store %arg5[%swap3A, %swap3A_28], %swap3A_31 {strides = array<i32>} : memref<640x16xf32, #tpu.memory_space<vmem>>, vector<1x16xf32>,
    }
    %scan3A_11 = arith.constant 640 : i32
    %mul3A_12 = arith.constant 640 : i32
    %mul3A_13 = arith.muli %arg1, %mul3A_12 : i32
    "tpu.region"() ({
      %run_scoped3A_26 = tpu.sem_alloc : memref<!tpu.dma_semaphore, #tpu.memory_space<semaphore_mem>>
      %dma_start3A = arith.constant 0 : i32
      %dma_start3A_27 = tpu.memref_slice %arg7[%mul3A_13, %dma_start3A] : memref<10240x16xf32, #tpu.memory_space<vmem_shared>> -> memref<640x16xf32, #tpu.memory_space<vmem_shared>>
      %dma_start3A_28 = arith.constant 0 : i32
      %dma_start3A_29 = tpu.memref_slice %arg7[%mul3A_13, %dma_start3A_28] : memref<10240x16xf32, #tpu.memory_space<vmem_shared>> -> memref<640x16xf32, #tpu.memory_space<vmem_shared>>
      tpu.enqueue_dma source(%arg6 : memref<640x16xf32, #tpu.memory_space<vmem>>) target(%dma_start3A_29 : memref<640x16xf32, #tpu.memory_space<vmem_shared>>) target_semaphore(%run_scoped3A_26 : memref<!tpu.dma_semaphore, #tpu.memory_space<semaphore_mem>>)
      %dma_wait3A = arith.constant 0 : i32
      %dma_wait3A_30 = tpu.memref_slice %arg7[%mul3A_13, %dma_wait3A] : memref<10240x16xf32, #tpu.memory_space<vmem_shared>> -> memref<640x16xf32, #tpu.memory_space<vmem_shared>>
      %dma_wait3A_31 = arith.constant 0 : i32
      %dma_wait3A_32 = tpu.memref_slice %arg7[%mul3A_13, %dma_wait3A_31] : memref<10240x16xf32, #tpu.memory_space<vmem_shared>> -> memref<640x16xf32, #tpu.memory_space<vmem_shared>>
      tpu.wait_dma2 semaphore(%run_scoped3A_26 : memref<!tpu.dma_semaphore, #tpu.memory_space<semaphore_mem>>) src(%arg6 : memref<640x16xf32, #tpu.memory_space<vmem>>) dst(%dma_wait3A_32 : memref<640x16xf32, #tpu.memory_space<vmem_shared>>)
      tpu.yield
    }) : () -> ()
    "tpu.region"() ({
      %run_scoped3A_26 = tpu.sem_alloc : memref<!tpu.dma_semaphore, #tpu.memory_space<semaphore_mem>>
      %dma_start3A = arith.constant 0 : i32
      %dma_start3A_27 = arith.constant 0 : i32
      %dma_start3A_28 = tpu.memref_slice %arg2[%add3A, %dma_start3A, %dma_start3A_27] : memref<32x8x640xi32, #tpu.memory_space<hbm>> -> memref<1x8x640xi32, #tpu.memory_space<hbm>>
      %dma_start3A_29 = tpu.memref_squeeze %dma_start3A_28 : memref<1x8x640xi32, #tpu.memory_space<hbm>> -> memref<8x640xi32, #tpu.memory_space<hbm>>
      %dma_start3A_30 = arith.constant 0 : i32
      %dma_start3A_31 = arith.constant 0 : i32
      %dma_start3A_32 = tpu.memref_slice %arg2[%add3A, %dma_start3A_30, %dma_start3A_31] : memref<32x8x640xi32, #tpu.memory_space<hbm>> -> memref<1x8x640xi32, #tpu.memory_space<hbm>>
      %dma_start3A_33 = tpu.memref_squeeze %dma_start3A_32 : memref<1x8x640xi32, #tpu.memory_space<hbm>> -> memref<8x640xi32, #tpu.memory_space<hbm>>
      tpu.enqueue_dma source(%dma_start3A_33 : memref<8x640xi32, #tpu.memory_space<hbm>>) target(%arg4 : memref<8x640xi32, #tpu.memory_space<vmem>>) target_semaphore(%run_scoped3A_26 : memref<!tpu.dma_semaphore, #tpu.memory_space<semaphore_mem>>)
      %dma_wait3A = arith.constant 0 : i32
      %dma_wait3A_34 = arith.constant 0 : i32
      %dma_wait3A_35 = tpu.memref_slice %arg2[%add3A, %dma_wait3A, %dma_wait3A_34] : memref<32x8x640xi32, #tpu.memory_space<hbm>> -> memref<1x8x640xi32, #tpu.memory_space<hbm>>
      %dma_wait3A_36 = tpu.memref_squeeze %dma_wait3A_35 : memref<1x8x640xi32, #tpu.memory_space<hbm>> -> memref<8x640xi32, #tpu.memory_space<hbm>>
      %dma_wait3A_37 = arith.constant 0 : i32
      %dma_wait3A_38 = arith.constant 0 : i32
      %dma_wait3A_39 = tpu.memref_slice %arg2[%add3A, %dma_wait3A_37, %dma_wait3A_38] : memref<32x8x640xi32, #tpu.memory_space<hbm>> -> memref<1x8x640xi32, #tpu.memory_space<hbm>>
      %dma_wait3A_40 = tpu.memref_squeeze %dma_wait3A_39 : memref<1x8x640xi32, #tpu.memory_space<hbm>> -> memref<8x640xi32, #tpu.memory_space<hbm>>
      tpu.wait_dma2 semaphore(%run_scoped3A_26 : memref<!tpu.dma_semaphore, #tpu.memory_space<semaphore_mem>>) src(%dma_wait3A_40 : memref<8x640xi32, #tpu.memory_space<hbm>>) dst(%arg4 : memref<8x640xi32, #tpu.memory_space<vmem>>)
      tpu.yield
    }) : () -> ()
    %barrier3A = arith.constant 0 : index
    tpu.barrier barrier_id(%barrier3A)
    %run_scoped3A = arith.constant 0 : i32
    "tpu.region"() ({
      %run_scoped3A_26 = tpu.sem_alloc : memref<!tpu.dma_semaphore, #tpu.memory_space<semaphore_mem>>
      %dma_start3A = arith.constant 0 : i32
      %dma_start3A_27 = tpu.memref_slice %arg4[%run_scoped3A, %dma_start3A] : memref<8x640xi32, #tpu.memory_space<vmem>> -> memref<1x640xi32, #tpu.memory_space<vmem>>
      %dma_start3A_28 = tpu.memref_squeeze %dma_start3A_27 : memref<1x640xi32, #tpu.memory_space<vmem>> -> memref<640xi32, #tpu.memory_space<vmem>>
      %dma_start3A_29 = arith.constant 0 : i32
      %dma_start3A_30 = arith.constant 0 : i32
      %dma_start3A_31 = tpu.memref_slice %arg7[%dma_start3A_29, %dma_start3A_30] : memref<10240x16xf32, #tpu.memory_space<vmem_shared>> -> memref<10240x16xf32, #tpu.memory_space<vmem_shared>>
      tpu.enqueue_indirect_dma source(%arg5 : memref<640x16xf32, #tpu.memory_space<vmem>>) target(%dma_start3A_31 : memref<10240x16xf32, #tpu.memory_space<vmem_shared>>) offsets(%dma_start3A_28 : memref<640xi32, #tpu.memory_space<vmem>>) semaphore(%run_scoped3A_26 : memref<!tpu.dma_semaphore, #tpu.memory_space<semaphore_mem>>) {add = true}
      %dma_wait3A = arith.constant 0 : i32
      %dma_wait3A_32 = tpu.memref_slice %arg4[%run_scoped3A, %dma_wait3A] : memref<8x640xi32, #tpu.memory_space<vmem>> -> memref<1x640xi32, #tpu.memory_space<vmem>>
      %dma_wait3A_33 = tpu.memref_squeeze %dma_wait3A_32 : memref<1x640xi32, #tpu.memory_space<vmem>> -> memref<640xi32, #tpu.memory_space<vmem>>
      %dma_wait3A_34 = arith.constant 0 : i32
      %dma_wait3A_35 = arith.constant 0 : i32
      %dma_wait3A_36 = tpu.memref_slice %arg7[%dma_wait3A_34, %dma_wait3A_35] : memref<10240x16xf32, #tpu.memory_space<vmem_shared>> -> memref<10240x16xf32, #tpu.memory_space<vmem_shared>>
      tpu.wait_indirect_dma semaphore(%run_scoped3A_26 : memref<!tpu.dma_semaphore, #tpu.memory_space<semaphore_mem>>) src(%arg5 : memref<640x16xf32, #tpu.memory_space<vmem>>) dst(%dma_wait3A_36 : memref<10240x16xf32, #tpu.memory_space<vmem_shared>>)
      tpu.yield
    }) : () -> ()
    %run_scoped3A_14 = arith.constant 1 : i32
    "tpu.region"() ({
      %run_scoped3A_26 = tpu.sem_alloc : memref<!tpu.dma_semaphore, #tpu.memory_space<semaphore_mem>>
      %dma_start3A = arith.constant 0 : i32
      %dma_start3A_27 = tpu.memref_slice %arg4[%run_scoped3A_14, %dma_start3A] : memref<8x640xi32, #tpu.memory_space<vmem>> -> memref<1x640xi32, #tpu.memory_space<vmem>>
      %dma_start3A_28 = tpu.memref_squeeze %dma_start3A_27 : memref<1x640xi32, #tpu.memory_space<vmem>> -> memref<640xi32, #tpu.memory_space<vmem>>
      %dma_start3A_29 = arith.constant 0 : i32
      %dma_start3A_30 = arith.constant 0 : i32
      %dma_start3A_31 = tpu.memref_slice %arg7[%dma_start3A_29, %dma_start3A_30] : memref<10240x16xf32, #tpu.memory_space<vmem_shared>> -> memref<10240x16xf32, #tpu.memory_space<vmem_shared>>
      tpu.enqueue_indirect_dma source(%arg5 : memref<640x16xf32, #tpu.memory_space<vmem>>) target(%dma_start3A_31 : memref<10240x16xf32, #tpu.memory_space<vmem_shared>>) offsets(%dma_start3A_28 : memref<640xi32, #tpu.memory_space<vmem>>) semaphore(%run_scoped3A_26 : memref<!tpu.dma_semaphore, #tpu.memory_space<semaphore_mem>>) {add = true}
      %dma_wait3A = arith.constant 0 : i32
      %dma_wait3A_32 = tpu.memref_slice %arg4[%run_scoped3A_14, %dma_wait3A] : memref<8x640xi32, #tpu.memory_space<vmem>> -> memref<1x640xi32, #tpu.memory_space<vmem>>
      %dma_wait3A_33 = tpu.memref_squeeze %dma_wait3A_32 : memref<1x640xi32, #tpu.memory_space<vmem>> -> memref<640xi32, #tpu.memory_space<vmem>>
      %dma_wait3A_34 = arith.constant 0 : i32
      %dma_wait3A_35 = arith.constant 0 : i32
      %dma_wait3A_36 = tpu.memref_slice %arg7[%dma_wait3A_34, %dma_wait3A_35] : memref<10240x16xf32, #tpu.memory_space<vmem_shared>> -> memref<10240x16xf32, #tpu.memory_space<vmem_shared>>
      tpu.wait_indirect_dma semaphore(%run_scoped3A_26 : memref<!tpu.dma_semaphore, #tpu.memory_space<semaphore_mem>>) src(%arg5 : memref<640x16xf32, #tpu.memory_space<vmem>>) dst(%dma_wait3A_36 : memref<10240x16xf32, #tpu.memory_space<vmem_shared>>)
      tpu.yield
    }) : () -> ()
    %run_scoped3A_15 = arith.constant 2 : i32
    "tpu.region"() ({
      %run_scoped3A_26 = tpu.sem_alloc : memref<!tpu.dma_semaphore, #tpu.memory_space<semaphore_mem>>
      %dma_start3A = arith.constant 0 : i32
      %dma_start3A_27 = tpu.memref_slice %arg4[%run_scoped3A_15, %dma_start3A] : memref<8x640xi32, #tpu.memory_space<vmem>> -> memref<1x640xi32, #tpu.memory_space<vmem>>
      %dma_start3A_28 = tpu.memref_squeeze %dma_start3A_27 : memref<1x640xi32, #tpu.memory_space<vmem>> -> memref<640xi32, #tpu.memory_space<vmem>>
      %dma_start3A_29 = arith.constant 0 : i32
      %dma_start3A_30 = arith.constant 0 : i32
      %dma_start3A_31 = tpu.memref_slice %arg7[%dma_start3A_29, %dma_start3A_30] : memref<10240x16xf32, #tpu.memory_space<vmem_shared>> -> memref<10240x16xf32, #tpu.memory_space<vmem_shared>>
      tpu.enqueue_indirect_dma source(%arg5 : memref<640x16xf32, #tpu.memory_space<vmem>>) target(%dma_start3A_31 : memref<10240x16xf32, #tpu.memory_space<vmem_shared>>) offsets(%dma_start3A_28 : memref<640xi32, #tpu.memory_space<vmem>>) semaphore(%run_scoped3A_26 : memref<!tpu.dma_semaphore, #tpu.memory_space<semaphore_mem>>) {add = true}
      %dma_wait3A = arith.constant 0 : i32
      %dma_wait3A_32 = tpu.memref_slice %arg4[%run_scoped3A_15, %dma_wait3A] : memref<8x640xi32, #tpu.memory_space<vmem>> -> memref<1x640xi32, #tpu.memory_space<vmem>>
      %dma_wait3A_33 = tpu.memref_squeeze %dma_wait3A_32 : memref<1x640xi32, #tpu.memory_space<vmem>> -> memref<640xi32, #tpu.memory_space<vmem>>
      %dma_wait3A_34 = arith.constant 0 : i32
      %dma_wait3A_35 = arith.constant 0 : i32
      %dma_wait3A_36 = tpu.memref_slice %arg7[%dma_wait3A_34, %dma_wait3A_35] : memref<10240x16xf32, #tpu.memory_space<vmem_shared>> -> memref<10240x16xf32, #tpu.memory_space<vmem_shared>>
      tpu.wait_indirect_dma semaphore(%run_scoped3A_26 : memref<!tpu.dma_semaphore, #tpu.memory_space<semaphore_mem>>) src(%arg5 : memref<640x16xf32, #tpu.memory_space<vmem>>) dst(%dma_wait3A_36 : memref<10240x16xf32, #tpu.memory_space<vmem_shared>>)
      tpu.yield
    }) : () -> ()
    %run_scoped3A_16 = arith.constant 3 : i32
    "tpu.region"() ({
      %run_scoped3A_26 = tpu.sem_alloc : memref<!tpu.dma_semaphore, #tpu.memory_space<semaphore_mem>>
      %dma_start3A = arith.constant 0 : i32
      %dma_start3A_27 = tpu.memref_slice %arg4[%run_scoped3A_16, %dma_start3A] : memref<8x640xi32, #tpu.memory_space<vmem>> -> memref<1x640xi32, #tpu.memory_space<vmem>>
      %dma_start3A_28 = tpu.memref_squeeze %dma_start3A_27 : memref<1x640xi32, #tpu.memory_space<vmem>> -> memref<640xi32, #tpu.memory_space<vmem>>
      %dma_start3A_29 = arith.constant 0 : i32
      %dma_start3A_30 = arith.constant 0 : i32
      %dma_start3A_31 = tpu.memref_slice %arg7[%dma_start3A_29, %dma_start3A_30] : memref<10240x16xf32, #tpu.memory_space<vmem_shared>> -> memref<10240x16xf32, #tpu.memory_space<vmem_shared>>
      tpu.enqueue_indirect_dma source(%arg5 : memref<640x16xf32, #tpu.memory_space<vmem>>) target(%dma_start3A_31 : memref<10240x16xf32, #tpu.memory_space<vmem_shared>>) offsets(%dma_start3A_28 : memref<640xi32, #tpu.memory_space<vmem>>) semaphore(%run_scoped3A_26 : memref<!tpu.dma_semaphore, #tpu.memory_space<semaphore_mem>>) {add = true}
      %dma_wait3A = arith.constant 0 : i32
      %dma_wait3A_32 = tpu.memref_slice %arg4[%run_scoped3A_16, %dma_wait3A] : memref<8x640xi32, #tpu.memory_space<vmem>> -> memref<1x640xi32, #tpu.memory_space<vmem>>
      %dma_wait3A_33 = tpu.memref_squeeze %dma_wait3A_32 : memref<1x640xi32, #tpu.memory_space<vmem>> -> memref<640xi32, #tpu.memory_space<vmem>>
      %dma_wait3A_34 = arith.constant 0 : i32
      %dma_wait3A_35 = arith.constant 0 : i32
      %dma_wait3A_36 = tpu.memref_slice %arg7[%dma_wait3A_34, %dma_wait3A_35] : memref<10240x16xf32, #tpu.memory_space<vmem_shared>> -> memref<10240x16xf32, #tpu.memory_space<vmem_shared>>
      tpu.wait_indirect_dma semaphore(%run_scoped3A_26 : memref<!tpu.dma_semaphore, #tpu.memory_space<semaphore_mem>>) src(%arg5 : memref<640x16xf32, #tpu.memory_space<vmem>>) dst(%dma_wait3A_36 : memref<10240x16xf32, #tpu.memory_space<vmem_shared>>)
      tpu.yield
    }) : () -> ()
    %run_scoped3A_17 = arith.constant 4 : i32
    "tpu.region"() ({
      %run_scoped3A_26 = tpu.sem_alloc : memref<!tpu.dma_semaphore, #tpu.memory_space<semaphore_mem>>
      %dma_start3A = arith.constant 0 : i32
      %dma_start3A_27 = tpu.memref_slice %arg4[%run_scoped3A_17, %dma_start3A] : memref<8x640xi32, #tpu.memory_space<vmem>> -> memref<1x640xi32, #tpu.memory_space<vmem>>
      %dma_start3A_28 = tpu.memref_squeeze %dma_start3A_27 : memref<1x640xi32, #tpu.memory_space<vmem>> -> memref<640xi32, #tpu.memory_space<vmem>>
      %dma_start3A_29 = arith.constant 0 : i32
      %dma_start3A_30 = arith.constant 0 : i32
      %dma_start3A_31 = tpu.memref_slice %arg7[%dma_start3A_29, %dma_start3A_30] : memref<10240x16xf32, #tpu.memory_space<vmem_shared>> -> memref<10240x16xf32, #tpu.memory_space<vmem_shared>>
      tpu.enqueue_indirect_dma source(%arg5 : memref<640x16xf32, #tpu.memory_space<vmem>>) target(%dma_start3A_31 : memref<10240x16xf32, #tpu.memory_space<vmem_shared>>) offsets(%dma_start3A_28 : memref<640xi32, #tpu.memory_space<vmem>>) semaphore(%run_scoped3A_26 : memref<!tpu.dma_semaphore, #tpu.memory_space<semaphore_mem>>) {add = true}
      %dma_wait3A = arith.constant 0 : i32
      %dma_wait3A_32 = tpu.memref_slice %arg4[%run_scoped3A_17, %dma_wait3A] : memref<8x640xi32, #tpu.memory_space<vmem>> -> memref<1x640xi32, #tpu.memory_space<vmem>>
      %dma_wait3A_33 = tpu.memref_squeeze %dma_wait3A_32 : memref<1x640xi32, #tpu.memory_space<vmem>> -> memref<640xi32, #tpu.memory_space<vmem>>
      %dma_wait3A_34 = arith.constant 0 : i32
      %dma_wait3A_35 = arith.constant 0 : i32
      %dma_wait3A_36 = tpu.memref_slice %arg7[%dma_wait3A_34, %dma_wait3A_35] : memref<10240x16xf32, #tpu.memory_space<vmem_shared>> -> memref<10240x16xf32, #tpu.memory_space<vmem_shared>>
      tpu.wait_indirect_dma semaphore(%run_scoped3A_26 : memref<!tpu.dma_semaphore, #tpu.memory_space<semaphore_mem>>) src(%arg5 : memref<640x16xf32, #tpu.memory_space<vmem>>) dst(%dma_wait3A_36 : memref<10240x16xf32, #tpu.memory_space<vmem_shared>>)
      tpu.yield
    }) : () -> ()
    %run_scoped3A_18 = arith.constant 5 : i32
    "tpu.region"() ({
      %run_scoped3A_26 = tpu.sem_alloc : memref<!tpu.dma_semaphore, #tpu.memory_space<semaphore_mem>>
      %dma_start3A = arith.constant 0 : i32
      %dma_start3A_27 = tpu.memref_slice %arg4[%run_scoped3A_18, %dma_start3A] : memref<8x640xi32, #tpu.memory_space<vmem>> -> memref<1x640xi32, #tpu.memory_space<vmem>>
      %dma_start3A_28 = tpu.memref_squeeze %dma_start3A_27 : memref<1x640xi32, #tpu.memory_space<vmem>> -> memref<640xi32, #tpu.memory_space<vmem>>
      %dma_start3A_29 = arith.constant 0 : i32
      %dma_start3A_30 = arith.constant 0 : i32
      %dma_start3A_31 = tpu.memref_slice %arg7[%dma_start3A_29, %dma_start3A_30] : memref<10240x16xf32, #tpu.memory_space<vmem_shared>> -> memref<10240x16xf32, #tpu.memory_space<vmem_shared>>
      tpu.enqueue_indirect_dma source(%arg5 : memref<640x16xf32, #tpu.memory_space<vmem>>) target(%dma_start3A_31 : memref<10240x16xf32, #tpu.memory_space<vmem_shared>>) offsets(%dma_start3A_28 : memref<640xi32, #tpu.memory_space<vmem>>) semaphore(%run_scoped3A_26 : memref<!tpu.dma_semaphore, #tpu.memory_space<semaphore_mem>>) {add = true}
      %dma_wait3A = arith.constant 0 : i32
      %dma_wait3A_32 = tpu.memref_slice %arg4[%run_scoped3A_18, %dma_wait3A] : memref<8x640xi32, #tpu.memory_space<vmem>> -> memref<1x640xi32, #tpu.memory_space<vmem>>
      %dma_wait3A_33 = tpu.memref_squeeze %dma_wait3A_32 : memref<1x640xi32, #tpu.memory_space<vmem>> -> memref<640xi32, #tpu.memory_space<vmem>>
      %dma_wait3A_34 = arith.constant 0 : i32
      %dma_wait3A_35 = arith.constant 0 : i32
      %dma_wait3A_36 = tpu.memref_slice %arg7[%dma_wait3A_34, %dma_wait3A_35] : memref<10240x16xf32, #tpu.memory_space<vmem_shared>> -> memref<10240x16xf32, #tpu.memory_space<vmem_shared>>
      tpu.wait_indirect_dma semaphore(%run_scoped3A_26 : memref<!tpu.dma_semaphore, #tpu.memory_space<semaphore_mem>>) src(%arg5 : memref<640x16xf32, #tpu.memory_space<vmem>>) dst(%dma_wait3A_36 : memref<10240x16xf32, #tpu.memory_space<vmem_shared>>)
      tpu.yield
    }) : () -> ()
    %run_scoped3A_19 = arith.constant 6 : i32
    "tpu.region"() ({
      %run_scoped3A_26 = tpu.sem_alloc : memref<!tpu.dma_semaphore, #tpu.memory_space<semaphore_mem>>
      %dma_start3A = arith.constant 0 : i32
      %dma_start3A_27 = tpu.memref_slice %arg4[%run_scoped3A_19, %dma_start3A] : memref<8x640xi32, #tpu.memory_space<vmem>> -> memref<1x640xi32, #tpu.memory_space<vmem>>
      %dma_start3A_28 = tpu.memref_squeeze %dma_start3A_27 : memref<1x640xi32, #tpu.memory_space<vmem>> -> memref<640xi32, #tpu.memory_space<vmem>>
      %dma_start3A_29 = arith.constant 0 : i32
      %dma_start3A_30 = arith.constant 0 : i32
      %dma_start3A_31 = tpu.memref_slice %arg7[%dma_start3A_29, %dma_start3A_30] : memref<10240x16xf32, #tpu.memory_space<vmem_shared>> -> memref<10240x16xf32, #tpu.memory_space<vmem_shared>>
      tpu.enqueue_indirect_dma source(%arg5 : memref<640x16xf32, #tpu.memory_space<vmem>>) target(%dma_start3A_31 : memref<10240x16xf32, #tpu.memory_space<vmem_shared>>) offsets(%dma_start3A_28 : memref<640xi32, #tpu.memory_space<vmem>>) semaphore(%run_scoped3A_26 : memref<!tpu.dma_semaphore, #tpu.memory_space<semaphore_mem>>) {add = true}
      %dma_wait3A = arith.constant 0 : i32
      %dma_wait3A_32 = tpu.memref_slice %arg4[%run_scoped3A_19, %dma_wait3A] : memref<8x640xi32, #tpu.memory_space<vmem>> -> memref<1x640xi32, #tpu.memory_space<vmem>>
      %dma_wait3A_33 = tpu.memref_squeeze %dma_wait3A_32 : memref<1x640xi32, #tpu.memory_space<vmem>> -> memref<640xi32, #tpu.memory_space<vmem>>
      %dma_wait3A_34 = arith.constant 0 : i32
      %dma_wait3A_35 = arith.constant 0 : i32
      %dma_wait3A_36 = tpu.memref_slice %arg7[%dma_wait3A_34, %dma_wait3A_35] : memref<10240x16xf32, #tpu.memory_space<vmem_shared>> -> memref<10240x16xf32, #tpu.memory_space<vmem_shared>>
      tpu.wait_indirect_dma semaphore(%run_scoped3A_26 : memref<!tpu.dma_semaphore, #tpu.memory_space<semaphore_mem>>) src(%arg5 : memref<640x16xf32, #tpu.memory_space<vmem>>) dst(%dma_wait3A_36 : memref<10240x16xf32, #tpu.memory_space<vmem_shared>>)
      tpu.yield
    }) : () -> ()
    %run_scoped3A_20 = arith.constant 7 : i32
    "tpu.region"() ({
      %run_scoped3A_26 = tpu.sem_alloc : memref<!tpu.dma_semaphore, #tpu.memory_space<semaphore_mem>>
      %dma_start3A = arith.constant 0 : i32
      %dma_start3A_27 = tpu.memref_slice %arg4[%run_scoped3A_20, %dma_start3A] : memref<8x640xi32, #tpu.memory_space<vmem>> -> memref<1x640xi32, #tpu.memory_space<vmem>>
      %dma_start3A_28 = tpu.memref_squeeze %dma_start3A_27 : memref<1x640xi32, #tpu.memory_space<vmem>> -> memref<640xi32, #tpu.memory_space<vmem>>
      %dma_start3A_29 = arith.constant 0 : i32
      %dma_start3A_30 = arith.constant 0 : i32
      %dma_start3A_31 = tpu.memref_slice %arg7[%dma_start3A_29, %dma_start3A_30] : memref<10240x16xf32, #tpu.memory_space<vmem_shared>> -> memref<10240x16xf32, #tpu.memory_space<vmem_shared>>
      tpu.enqueue_indirect_dma source(%arg5 : memref<640x16xf32, #tpu.memory_space<vmem>>) target(%dma_start3A_31 : memref<10240x16xf32, #tpu.memory_space<vmem_shared>>) offsets(%dma_start3A_28 : memref<640xi32, #tpu.memory_space<vmem>>) semaphore(%run_scoped3A_26 : memref<!tpu.dma_semaphore, #tpu.memory_space<semaphore_mem>>) {add = true}
      %dma_wait3A = arith.constant 0 : i32
      %dma_wait3A_32 = tpu.memref_slice %arg4[%run_scoped3A_20, %dma_wait3A] : memref<8x640xi32, #tpu.memory_space<vmem>> -> memref<1x640xi32, #tpu.memory_space<vmem>>
      %dma_wait3A_33 = tpu.memref_squeeze %dma_wait3A_32 : memref<1x640xi32, #tpu.memory_space<vmem>> -> memref<640xi32, #tpu.memory_space<vmem>>
      %dma_wait3A_34 = arith.constant 0 : i32
      %dma_wait3A_35 = arith.constant 0 : i32
      %dma_wait3A_36 = tpu.memref_slice %arg7[%dma_wait3A_34, %dma_wait3A_35] : memref<10240x16xf32, #tpu.memory_space<vmem_shared>> -> memref<10240x16xf32, #tpu.memory_space<vmem_shared>>
      tpu.wait_indirect_dma semaphore(%run_scoped3A_26 : memref<!tpu.dma_semaphore, #tpu.memory_space<semaphore_mem>>) src(%arg5 : memref<640x16xf32, #tpu.memory_space<vmem>>) dst(%dma_wait3A_36 : memref<10240x16xf32, #tpu.memory_space<vmem_shared>>)
      tpu.yield
    }) : () -> ()
    %barrier3A_21 = arith.constant 0 : index
    tpu.barrier barrier_id(%barrier3A_21)
    %mul3A_22 = arith.constant 640 : i32
    %mul3A_23 = arith.muli %arg1, %mul3A_22 : i32
    %mul3A_24 = arith.constant 640 : i32
    %mul3A_25 = arith.muli %arg1, %mul3A_24 : i32
    "tpu.region"() ({
      %run_scoped3A_26 = tpu.sem_alloc : memref<!tpu.dma_semaphore, #tpu.memory_space<semaphore_mem>>
      %dma_start3A = arith.constant 0 : i32
      %dma_start3A_27 = tpu.memref_slice %arg3[%arg0, %mul3A_25, %dma_start3A] : memref<2x10240x16xf32, #tpu.memory_space<hbm>> -> memref<1x640x16xf32, #tpu.memory_space<hbm>>
      %dma_start3A_28 = tpu.memref_squeeze %dma_start3A_27 : memref<1x640x16xf32, #tpu.memory_space<hbm>> -> memref<640x16xf32, #tpu.memory_space<hbm>>
      %dma_start3A_29 = arith.constant 0 : i32
      %dma_start3A_30 = tpu.memref_slice %arg7[%mul3A_23, %dma_start3A_29] : memref<10240x16xf32, #tpu.memory_space<vmem_shared>> -> memref<640x16xf32, #tpu.memory_space<vmem_shared>>
      tpu.enqueue_dma source(%dma_start3A_30 : memref<640x16xf32, #tpu.memory_space<vmem_shared>>) target(%dma_start3A_28 : memref<640x16xf32, #tpu.memory_space<hbm>>) target_semaphore(%run_scoped3A_26 : memref<!tpu.dma_semaphore, #tpu.memory_space<semaphore_mem>>)
      %dma_wait3A = arith.constant 0 : i32
      %dma_wait3A_31 = tpu.memref_slice %arg3[%arg0, %mul3A_25, %dma_wait3A] : memref<2x10240x16xf32, #tpu.memory_space<hbm>> -> memref<1x640x16xf32, #tpu.memory_space<hbm>>
      %dma_wait3A_32 = tpu.memref_squeeze %dma_wait3A_31 : memref<1x640x16xf32, #tpu.memory_space<hbm>> -> memref<640x16xf32, #tpu.memory_space<hbm>>
      %dma_wait3A_33 = arith.constant 0 : i32
      %dma_wait3A_34 = tpu.memref_slice %arg7[%mul3A_23, %dma_wait3A_33] : memref<10240x16xf32, #tpu.memory_space<vmem_shared>> -> memref<640x16xf32, #tpu.memory_space<vmem_shared>>
      tpu.wait_dma2 semaphore(%run_scoped3A_26 : memref<!tpu.dma_semaphore, #tpu.memory_space<semaphore_mem>>) src(%dma_wait3A_34 : memref<640x16xf32, #tpu.memory_space<vmem_shared>>) dst(%dma_wait3A_32 : memref<640x16xf32, #tpu.memory_space<hbm>>)
      tpu.yield
    }) : () -> ()
    return
  }
}

</mosaic_0001>

<sc_bundles>
// kernel: _sc_indeg.3.cloned.1.call-start
scs
__scs_entry_jumppad:
0x0: {  	(pc) =	sbr.rel $0x88, $3  }
0x1: {  	(tag) =	ssettag $0x0;
	lr =	simm.s32 $0x1  }
0x2: {  	[smem:$0x3FA0] =	sst lr;
	_ =	strace $0xD0000000  }
0x3: {  	_ = 	snop  }
0x4: {  	_ = 	snop  }
0x5: {  	_ = 	snop  }
0x6: {  	_ = 	snop  }
0x7: {  	_ = 	snop  }
__scs_overlays_trampoline_lowered:
0x8: {  	[smem:$0x3FAF] =	sst s0  }
0x9: {  	[smem:$0x3FB0] =	sst s1  }
0xa: {  	[smem:$0x3FB1] =	sst s2  }
0xb: {  	[smem:$0x3FB2] =	sst s3  }
0xc: {  	[smem:$0x3FB3] =	sst s4  }
0xd: {  	[smem:$0x3FB4] =	sst s5  }
0xe: {  	[smem:$0x3FB5] =	sst s6  }
0xf: {  	[smem:$0x3FB6] =	sst s7  }
0x10: {  	[smem:$0x3FB7] =	sst s8  }
0x11: {  	[smem:$0x3FB8] =	sst s9;
	s0 =	simm.s32 @!p0 $0x0  }
0x12: {  	s1 =	sld [smem:$0x3F9E];
	s0 =	simm.s32 @p0 $0x1  }
0x13: {  	[smem:$0x3FB9] =	sst s0;
	s0 =	simm.s32 @!p1 $0x0  }
0x14: {  	s2 =	sld [smem:$0x3F9D];
	s0 =	simm.s32 @p1 $0x1  }
0x15: {  	[smem:$0x3FBA] =	sst s0;
	s0 =	simm.s32 @!p2 $0x0  }
0x16: {  	s3 =	sld [smem:$0x3FDB];
	s0 =	simm.s32 @p2 $0x1  }
0x17: {  	s4 =	simm.s32 $0x1BF5;
	[smem:$0x3FBC] =	sst s0  }
0x18: {  	s0 =	sld [smem:$0x3F9F];
	_ =	swait.ge [sflag:s4], $0x0  }
0x19: {  	s7 =	sld [smem:$0x3FA0]  }
0x1a: {  	s8 =	sadd.s32 $0xFFFFE003, lr  }
0x1b: {  	s9 =	sadd.s32 $0xFFFFFEF7, lr;
	s5 =	simm.s32 $0xFFFFFFFF;
	p2 =	slt.u32 s8, $0xFFFFF086  }
0x1c: {  	p1 =	slt.u32 s9, $0xF7A;
	s5 =	simm.s32 @!p2 $0x0  }
0x1d: {  	s5 =	simm.s32 @p1 $0x1;
	p0 =	seq.s32 s7, s2  }
0x1e: {  	s7 =	smul.u32 @!p0 $0xF7A, s2;
	p2 =	seq.s32 @!p0 s5, $0x0  }
0x1f: {  	s9 =	smul.u32 $0xF7A, s1;
	s8 =	simm.s32 @!p0 $0x1BF5;
	p2 =	por !p2, p0  }
0x20: {  	[sflag:s8] =	ssyncset.s32 @!p0 $0xFFFFF086;
	s6 =	sadd.s32 @!p0 s3, s7;
	s7 =	simm.s32 @!p0 $0x108  }
0x21: {  	s3 =	sadd.s32 s3, s9;
	s6 =	sadd.s32 @!p0 $0x88, s6;
	s7 =	simm.s32 @p2 $0x1082  }
0x22: {  	[simem:s7], [sflag:s8] =	dma.local @!p0 [hbm:s6], $0xF7A  }
0x23: {  	s9 =	sor.u32 $0xD0000000, s2;
	s6 =	simm.s32 $0x108;
	_ =	swait.ge @!p0 [sflag:s8], $0x0  }
0x24: {  	s3 =	sadd.s32 $0x88, s3;
	s6 =	simm.s32 @!p1 $0x1082;
	[sflag:s4] =	ssyncset.s32 $0xFFFFF086  }
0x25: {  	[simem:s6], [sflag:s4] =	dma.local [hbm:s3], $0xF7A  }
0x26: {  	[smem:$0x3FA0] =	sst s1;
	(tag) =	ssettag s2;
	_ =	strace s9  }
0x27: {  	s1 =	sld [smem:$0x3FB0]  }
0x28: {  	s2 =	sld [smem:$0x3FB1]  }
0x29: {  	s4 =	sld [smem:$0x3FB3]  }
0x2a: {  	p0 =	seq.s32 s5, $0x0;
	s5 =	sld [smem:$0x3FB4]  }
0x2b: {  	s6 =	sld [smem:$0x3FB5]  }
0x2c: {  	s7 =	sld [smem:$0x3FB6]  }
0x2d: {  	s3 =	simm.s32 $0x108;
	s8 =	sld [smem:$0x3FB7]  }
0x2e: {  	s3 =	simm.s32 @!p0 $0x1082;
	s9 =	sld [smem:$0x3FB8]  }
0x2f: {  	lr =	sadd.s32 s0, s3;
	s0 =	sld [smem:$0x3FAF]  }
0x30: {  	s3 =	sld [smem:$0x3FB2]  }
0x31: {  	[smem:$0x3FBB] =	sst s10  }
0x32: {  	s10 =	sld [smem:$0x3FB9];
	_ =	sdelay $0x3  }
0x33: {  	p0 =	seq.s32 s10, $0x1;
	s10 =	sld [smem:$0x3FBB];
	_ =	sdelay $0x3  }
0x34: {  	[smem:$0x3FBB] =	sst s10  }
0x35: {  	s10 =	sld [smem:$0x3FBA];
	_ =	sdelay $0x3  }
0x36: {  	p1 =	seq.s32 s10, $0x1;
	s10 =	sld [smem:$0x3FBB];
	_ =	sdelay $0x3  }
0x37: {  	[smem:$0x3FBB] =	sst s10  }
0x38: {  	s10 =	sld [smem:$0x3FBC]  }
0x39: {  	_ = 	snop;
	(pc) =	sbr.ind lr, $3  }
0x3a: {  	_ = 	snop  }
0x3b: {  	_ = 	snop  }
0x3c: {  	p2 =	seq.s32 s10, $0x1;
	s10 =	sld [smem:$0x3FBB]  }
0x3d: {  	_ =	shalt  }
0x3e: {  	_ =	shalt  }
0x3f: {  	_ =	shalt  }
0x40: {  	_ =	shalt  }
0x41: {  	_ =	shalt  }
0x42: {  	_ =	shalt  }
0x43: {  	_ =	shalt  }
0x44: {  	_ =	shalt  }
0x45: {  	_ =	shalt  }
0x46: {  	_ =	shalt  }
0x47: {  	_ =	shalt  }
0x48: {  	_ =	shalt  }
0x49: {  	_ =	shalt  }
0x4a: {  	_ =	shalt  }
0x4b: {  	_ =	shalt  }
0x4c: {  	_ =	shalt  }
0x4d: {  	_ =	shalt  }
0x4e: {  	_ =	shalt  }
0x4f: {  	_ =	shalt  }
0x50: {  	_ =	shalt  }
0x51: {  	_ =	shalt  }
0x52: {  	_ =	shalt  }
0x53: {  	_ =	shalt  }
0x54: {  	_ =	shalt  }
0x55: {  	_ =	shalt  }
0x56: {  	_ =	shalt  }
0x57: {  	_ =	shalt  }
0x58: {  	_ =	shalt  }
0x59: {  	_ =	shalt  }
0x5a: {  	_ =	shalt  }
0x5b: {  	_ =	shalt  }
0x5c: {  	_ =	shalt  }
0x5d: {  	_ =	shalt  }
0x5e: {  	_ =	shalt  }
0x5f: {  	_ =	shalt  }
0x60: {  	_ =	shalt  }
0x61: {  	_ =	shalt  }
0x62: {  	_ =	shalt  }
0x63: {  	_ =	shalt  }
0x64: {  	_ =	shalt  }
0x65: {  	_ =	shalt  }
0x66: {  	_ =	shalt  }
0x67: {  	_ =	shalt  }
0x68: {  	_ =	shalt  }
0x69: {  	_ =	shalt  }
0x6a: {  	_ =	shalt  }
0x6b: {  	_ =	shalt  }
0x6c: {  	_ =	shalt  }
0x6d: {  	_ =	shalt  }
0x6e: {  	_ =	shalt  }
0x6f: {  	_ =	shalt  }
0x70: {  	_ =	shalt  }
0x71: {  	_ =	shalt  }
0x72: {  	_ =	shalt  }
0x73: {  	_ =	shalt  }
0x74: {  	_ =	shalt  }
0x75: {  	_ =	shalt  }
0x76: {  	_ =	shalt  }
0x77: {  	_ =	shalt  }
0x78: {  	_ =	shalt  }
0x79: {  	_ =	shalt  }
0x7a: {  	_ =	shalt  }
0x7b: {  	_ =	shalt  }
0x7c: {  	_ =	shalt  }
0x7d: {  	_ =	shalt  }
0x7e: {  	_ =	shalt  }
0x7f: {  	_ =	shalt  }
0x80: {  	_ =	shalt  }
0x81: {  	_ =	shalt  }
0x82: {  	_ =	shalt  }
0x83: {  	_ =	shalt  }
0x84: {  	_ =	shalt  }
0x85: {  	_ =	shalt  }
0x86: {  	_ =	shalt  }
0x87: {  	_ =	shalt  }
.Lfunc_end0:
.L_simem_size_0:
called_computation_lowered:
.L_overlay_start_0:
0x88: {  	s2 =	sld [smem:$0x3FD9]  }
0x89: {  	s3 =	sld [smem:$0x3FFE];
	_ =	sdelay $0x1  }
0x8a: {  	s1 =	srdreg.scid  }
0x8b: {  	s0 =	sand.u32 $0x1, s1  }
0x8c: {  	s17 =	sshll.u32 s0, $0xA;
	s2 =	sadd.s32 s3, s2  }
0x8d: {  	s2 =	sadd.s32 s2, s17  }
0x8e: {  	[smem:$0x3FC7] =	sst s2  }
0x8f: {  	_ = 	snop  }
0x90: {  	s2 =	sld [smem:$0x3FD0];
	(tm) =	ssettm $0x1  }
0x91: {  	s18 =	sld [smem:$0x3FFB];
	_ =	sdelay $0x3  }
0x92: {  	_ =	strace s18  }
0x93: {  	s3 =	sld [smem:$0x3FFC];
	_ =	sdelay $0x3  }
0x94: {  	_ =	strace s3  }
0x95: {  	s3 =	sld [smem:$0x3FFD];
	_ =	sdelay $0x3  }
0x96: {  	_ =	strace s3  }
0x97: {  	_ =	strace $0x8FFFFFFF  }
0x98: {  	s19 =	sld [smem:$0x3FDB];
	_ =	sdelay $0x1  }
0x99: {  	s4 =	simm.s32 $_scs_section_size  }
0x9a: {  	s5 =	simm.s32 $_size__tile_overlayer_lowered;
	s6 =	simm.s32 $_tile_overlayer_lowered  }
0x9b: {  	s22 =	simm.s32 $0x1BFF;
	s21 =	sshll.u32 s6, $0x1;
	s3 =	sadd.s32 s4, s19  }
0x9c: {  	s7 =	simm.s32 $0x0;
	s20 =	sshll.u32 s5, $0x1;
	s5 =	sadd.s32 s21, s3  }
0x9d: {  	[timem:s7], [sflag:s22] =	dma.local [hbm:s5], s20  }
0x9e: {  	_ =	swait.ge [sflag:s22], s20  }
0x9f: {  	s4 =	ssub.s32 $0x0, s20;
	[sflag:s22] =	ssyncset.done $0x0  }
0xa0: {  	[sflag:s22] =	ssyncadd.s32 s4;
	_ =	sdelay $0x1  }
0xa1: {  	s23 =	simm.s32 $0x1B8B  }
0xa2: {  	_ =	swait.ge [sflag:s23], $0x1  }
0xa3: {  	[sflag:s23] =	ssyncset.done $0x0  }
0xa4: {  	s25 =	simm.s32 $0x1B8E;
	s24 =	sld [smem:$0x3FFE];
	[sflag:s23] =	ssyncadd.s32 $0xFFFFFFFF  }
0xa5: {  	s26 =	simm.s32 $execute0_lowered;
	[smem:$0x3FD2] =	sst s25  }
0xa6: {  	s5 =	sshll.u32 s26, $0x1;
	_ =	strace $0x80000046;
	[dreg:$0x1] =	wrdreg $0xFFFFFFFF  }
0xa7: {  	s28 =	simm.s32 $_size_execute0_lowered;
	s3 =	sadd.s32 s3, s5;
	[dreg:$0x0] =	wrdreg $0x0  }
0xa8: {  	s5 =	sshll.u32 s28, $0x1;
	[dreg:$0x2] =	wrdreg s3  }
0xa9: {  	[dreg:$0x3] =	wrdreg s5  }
0xaa: {  	[dreg:$0x4] =	wrdreg $0xC0  }
0xab: {  	_ =	task [dreg:s7], $0x5FFFF  }
0xac: {  	[dreg:$0x1] =	wrdreg $0xFFFFFFFF  }
0xad: {  	[dreg:$0x0] =	wrdreg $0x60  }
0xae: {  	[dreg:$0x2] =	wrdreg s24  }
0xaf: {  	[dreg:$0x3] =	wrdreg s2  }
0xb0: {  	[dreg:$0x4] =	wrdreg $0x64000  }
0xb1: {  	[dreg:$0x5] =	wrdreg $0x9  }
0xb2: {  	_ =	task.clear_ibuf [dreg:s7], $0x6FFFF;
	_ =	strace $0x90000046  }
0xb3: {  	s29 =	simm.s32 $0x9;
	_ =	strace $0x80000048  }
0xb4: {  	_ =	swait.ge [sflag:s29], $0x1  }
0xb5: {  	[sflag:s29] =	ssyncadd.s32 $0xFFFFFFFF  }
0xb6: {  	_ =	strace $0x90000048  }
0xb7: {  	_ =	sfence  }
0xb8: {  	s30 =	sld [smem:$0x0];
	_ =	sdelay $0x2  }
0xb9: {  	s31 =	sshll.u32 s1, $0xD;
	s1 =	sshrl.u32 s1, $0x2  }
0xba: {  	s3 =	sand.u32 $0x4000, s31;
	s1 =	sadd.s32 s1, s30  }
0xbb: {  	s0 =	sor.u32 s3, s0;
	s1 =	sshll.u32 s1, $0x11  }
0xbc: {  	s0 =	sor.u32 s1, s0  }
0xbd: {  	s0 =	sadd.s32 $0x8F2B, s0  }
0xbe: {  	[sflag:s0] =	ssyncadd.remote.s32 $0x1  }
0xbf: {  	_ =	sfence.sel $0xFFFF  }
0xc0: {  	[dreg:$0x0] =	wrdreg $0xFFFFFFFF;
	(pc) =	sbr.abs _section_cstart, $3  }
0xc1: {  	[dreg:$0x1] =	wrdreg $0xFFFFFFFF  }
0xc2: {  	_ =	task.clear_ibuf [dreg:s7], $0x2FFFF;
	_ =	strace $0x9FFFFFFF  }
0xc3: {  	(tm) =	ssettm $0x7FFFFFFF  }
tec
execute0_lowered:
.L_overlay_start_1:
0x0: {  	(tag) =	ssettag $0x1  }
0x1: {  	s4 =	rddreg [dreg:$0x0]  }
0x2: {  	s6 =	rddreg [dreg:$0x1]  }
0x3: {  	s2 =	rddreg [dreg:$0x2]  }
0x4: {  	s0 =	rddreg [dreg:$0x3]  }
0x5: {  	s3 =	srdreg.scid;
	s1 =	stileid.u32  }
0x6: {  	s11 =	simm.s32 $0x1400;
	s12 =	simm.s32 $0x500;
	s13 =	simm.s32 $0x780  }
0x7: {  	s14 =	simm.s32 $0xA00;
	s15 =	simm.s32 $0xC80;
	s16 =	simm.s32 $0xF00  }
0x8: {  	s17 =	simm.s32 $0x1180;
	s20 =	simm.s32 $0x0;
	s5 =	sand.u32 $0x1, s3  }
0x9: {  	s7 =	sshll.u32 s1, $0x1;
	s8 =	smul.u32 $0x2800, s1;
	s3 =	simm.s32 $0x0  }
0xa: {  	s18 =	sshll.u32 s1, $0x6;
	s7 =	sor.u32 s5, s7;
	s9 =	smul.u32 $0x28000, s5  }
0xb: {  	[smem:$0x7FF] =	sst s3;
	s5 =	ssub.s32 $0x2, s5;
	s7 =	smul.u32 $0x280, s7  }
0xc: {  	s18 =	sor.u32 $0x1C01, s18;
	_ =	strace $0x80000047;
	s10 =	sshrl.u32 s5, $0x1  }
0xd: {  	s9 =	sadd.s32 s8, s9;
	s10 =	ssub.s32 s5, s10;
	s7 =	sadd.s32 s7, s4  }
0xe: {  	s9 =	sshrl.u32 s9, $0x3;
	s4 =	sadd.s32 s8, s2;
	s8 =	simm.s32 $0x3C00  }
0xf: {  	s5 =	sadd.s32 $0x400, s7;
	s6 =	sadd.s32 s6, s9;
	s7 =	smax.u32 s10, $0x1  }
0x10: {  	v0 =	vimm.f32 $0.0e+00;
	v1 =	vimm.f32 $1.000000000e+00;
	s9 =	simm.s32 $0x1;
	s10 =	simm.s32 $0x280;
	s19 =	sshrl.u32 s4, $0x3  }
.LBB2_1:
0x11: {  	s21 =	simm.s32 $0x0  }
.LBB2_2:
0x12: {  	p0 =	sne.s32 s21, $0x9FC0  }
.Ltmp0:
0x13: {  	_ = 	snop;
	(pc) =	sbr.rel @p0 .LBB2_2-.Ltmp0, $3  }
0x14: {  	_ =	sdelay $0x1  }
0x15: {  	s22 =	sshra.s32 s21, $0x2  }
0x16: {  	s21 =	sadd.s32 $0x40, s21;
	[tilespmem:s22+$0x3C00] =	vst v0  }
0x17: {  	s21 =	simm.s32 $0x40;
	s22 =	simm.s32 $0x0  }
.LBB2_4:
0x18: {  	p0 =	sne.s32 s21, $0x9FC0;
	[tilespmem:s22+$0x1400] =	vst v1;
	s22 =	smov.u32 s21;
	s21 =	sadd.s32 $0x40, s21  }
.Ltmp1:
0x19: {  	(pc) =	sbr.rel @p0 .LBB2_4-.Ltmp1, $2  }
0x1a: {  	_ =	sdelay $0x2  }
0x1b: {  	s22 =	sshra.s32 s22, $0x2  }
0x1c: {  	[tilespmem:s22+$0x1400] =	vst v1  }
0x1d: {  	[spmem:s4] =	stream.linear.scatter [tilespmem:s8], [sflag:$0x1], $0x2800, $0x38;
	[tilespmem:$0x8C00] =	vst v63  }
0x1e: {  	_ =	swait.ge [sflag:s9], $0x2800  }
0x1f: {  	[sflag:s9] =	ssyncset.done $0x0  }
0x20: {  	[sflag:s9] =	ssyncadd.s32 $0xFFFFD800  }
0x21: {  	[tilespmem:s3], [sflag:$0x1] =	stream.linear.gather [hbm4b:s5+s3], $0x1400, $0x38;
	[tilespmem:$0x8C00] =	vst v63  }
0x22: {  	_ =	swait.ge [sflag:s9], $0x1400  }
0x23: {  	[sflag:s9] =	ssyncset.done $0x0  }
0x24: {  	[sflag:s9] =	ssyncadd.s32 $0xFFFFEC00  }
0x25: {  	[bflag:$0x0] =	sbarrier.arrive $0xFFFF  }
0x26: {  	[spmem:s2] =	stream.indirect.scatter.add.f32 [tilespmem:s11], [sflag:$0x1], $0x10, s3, s10, $0xb8;
	[tilespmem:$0x8C00] =	vst v63  }
0x27: {  	_ =	swait.ge [sflag:s9], $0x2800  }
0x28: {  	[sflag:s9] =	ssyncset.done $0x0  }
0x29: {  	[sflag:s9] =	ssyncadd.s32 $0xFFFFD800  }
0x2a: {  	[spmem:s2] =	stream.indirect.scatter.add.f32 [tilespmem:s11], [sflag:$0x1], $0x10, s10, s10, $0xb8;
	[tilespmem:$0x8C00] =	vst v63  }
0x2b: {  	_ =	swait.ge [sflag:s9], $0x2800  }
0x2c: {  	[sflag:s9] =	ssyncset.done $0x0  }
0x2d: {  	[sflag:s9] =	ssyncadd.s32 $0xFFFFD800  }
0x2e: {  	[spmem:s2] =	stream.indirect.scatter.add.f32 [tilespmem:s11], [sflag:$0x1], $0x10, s12, s10, $0xb8;
	[tilespmem:$0x8C00] =	vst v63  }
0x2f: {  	_ =	swait.ge [sflag:s9], $0x2800  }
0x30: {  	[sflag:s9] =	ssyncset.done $0x0  }
0x31: {  	[sflag:s9] =	ssyncadd.s32 $0xFFFFD800  }
0x32: {  	[spmem:s2] =	stream.indirect.scatter.add.f32 [tilespmem:s11], [sflag:$0x1], $0x10, s13, s10, $0xb8;
	[tilespmem:$0x8C00] =	vst v63  }
0x33: {  	_ =	swait.ge [sflag:s9], $0x2800  }
0x34: {  	[sflag:s9] =	ssyncset.done $0x0  }
0x35: {  	[sflag:s9] =	ssyncadd.s32 $0xFFFFD800  }
0x36: {  	[spmem:s2] =	stream.indirect.scatter.add.f32 [tilespmem:s11], [sflag:$0x1], $0x10, s14, s10, $0xb8;
	[tilespmem:$0x8C00] =	vst v63  }
0x37: {  	_ =	swait.ge [sflag:s9], $0x2800  }
0x38: {  	[sflag:s9] =	ssyncset.done $0x0  }
0x39: {  	[sflag:s9] =	ssyncadd.s32 $0xFFFFD800  }
0x3a: {  	[spmem:s2] =	stream.indirect.scatter.add.f32 [tilespmem:s11], [sflag:$0x1], $0x10, s15, s10, $0xb8;
	[tilespmem:$0x8C00] =	vst v63  }
0x3b: {  	_ =	swait.ge [sflag:s9], $0x2800  }
0x3c: {  	[sflag:s9] =	ssyncset.done $0x0  }
0x3d: {  	[sflag:s9] =	ssyncadd.s32 $0xFFFFD800  }
0x3e: {  	[spmem:s2] =	stream.indirect.scatter.add.f32 [tilespmem:s11], [sflag:$0x1], $0x10, s16, s10, $0xb8;
	[tilespmem:$0x8C00] =	vst v63  }
0x3f: {  	_ =	swait.ge [sflag:s9], $0x2800  }
0x40: {  	[sflag:s9] =	ssyncset.done $0x0  }
0x41: {  	[sflag:s9] =	ssyncadd.s32 $0xFFFFD800  }
0x42: {  	[spmem:s2] =	stream.indirect.scatter.add.f32 [tilespmem:s11], [sflag:$0x1], $0x10, s17, s10, $0xb8;
	[tilespmem:$0x8C00] =	vst v63  }
0x43: {  	_ =	swait.ge [sflag:s9], $0x2800  }
0x44: {  	s20 =	sadd.s32 $0x1, s20;
	[sflag:s9] =	ssyncset.done $0x0  }
0x45: {  	p0 =	sne.s32 s20, s7;
	[sflag:s9] =	ssyncadd.s32 $0xFFFFD800  }
.Ltmp2:
0x46: {  	[bflag:$0x0] =	sbarrier.arrive $0xFFFF;
	(pc) =	sbr.rel @p0 .LBB2_1-.Ltmp2, $4  }
0x47: {  	[hbm:s6], [sflag:s18] =	dma.local [spmem:s19], $0x500  }
0x48: {  	_ =	swait.ge [sflag:s9], $0x500  }
0x49: {  	[sflag:s9] =	ssyncset.done $0x0  }
0x4a: {  	[sflag:s9] =	ssyncadd.s32 $0xFFFFFB00  }
0x4b: {  	_ =	sfence.sel $0x180000  }
0x4c: {  	[bflag:$0x0] =	sbarrier.arrive $0xFFFF  }
0x4d: {  	p0 =	sne.s32 s1, $0x0;
	_ =	strace $0x90000047  }
0x4e: {  	s0 =	sadd.s32 @!p0 $0x100000, s0;
	[bflag:$0x2] =	sbarrier.arrive $0xFFFF  }
0x4f: {  	[sflag:s0] =	ssyncadd.tile.s32 @!p0 $0x1;
	_ =	shalt  }
.Lfunc_end2:
_tile_overlayer_lowered:
.L_overlay_start_2:
0x50: {  	(tag) =	ssettag $0x2  }
0x51: {  	s0 =	rddreg [dreg:$0x0];
	s2 =	stileid.u32  }
0x52: {  	s1 =	rddreg [dreg:$0x1];
	p0 =	sne.s32 s2, $0x0  }
0x53: {  	s3 =	rddreg [dreg:$0x2];
	[bflag:$0x3] =	sbarrier.arrive $0xFFFF;
	s2 =	simm.s32 @!p0 $0x1C01  }
0x54: {  	[timem:s3], [sflag:s2] =	dma.local @!p0 [hbm:s0], s1  }
0x55: {  	s0 =	simm.s32 @!p0 $0x1  }
0x56: {  	_ =	swait.ge @!p0 [sflag:s0], s1  }
0x57: {  	s1 =	ssub.s32 @!p0 $0x0, s1;
	[sflag:s0] =	ssyncset.done @!p0 $0x0  }
0x58: {  	[sflag:s0] =	ssyncadd.s32 @!p0 s1  }
0x59: {  	[bflag:$0x3] =	sbarrier.arrive $0xFFFF  }
0x5a: {  	_ =	shalt  }

</sc_bundles>
